<compile_context>
chip_gen: v7x
topology: tpu7x:2x2x1
jax: 0.10.2.dev20260603
libtpu: 0.0.44.dev20260713+nightly
codegen_flags: <defaults>
</compile_context>

<pallas_src>
import functools

import jax
import jax.numpy as jnp
from jax import lax
from jax.experimental import pallas as pl
from jax.experimental.pallas import tpu as pltpu
from jax.experimental.pallas import tpu_sc as plsc

N = 819200
NC, NS, L = 2, 16, 16
NW = NC * NS
CHUNK = N // NW
UNROLL = 8
STEPS = CHUNK // (L * UNROLL)


def _body(x_hbm, w_hbm, stage_hbm, wv, s_ref, idx_v, acc_ref,
          sem1, sem2):
    cid = lax.axis_index("c")
    sid = lax.axis_index("s")
    wid = cid * NS + sid

    lane = lax.iota(jnp.int32, L)
    zero = jnp.zeros((L,), jnp.float32)

    base = wid * CHUNK
    half = CHUNK // 2
    c1 = pltpu.async_copy(x_hbm.at[pl.ds(base, half)],
                          idx_v.at[pl.ds(0, half)], sem1)
    c2 = pltpu.async_copy(x_hbm.at[pl.ds(base + half, half)],
                          idx_v.at[pl.ds(half, half)], sem2)

    pltpu.sync_copy(w_hbm, wv)
    s_vec = zero
    for v in range(5):
        s_v = (5.0 * jnp.sum(wv[v, :]) + 10.0 * jnp.sum(wv[5 + v, :])
               + 6.0 * jnp.sum(wv[10 + v, :]))
        s_vec = jnp.where(lane == v, s_v, s_vec)
    s_ref[...] = s_vec

    def step(j, accs):
        a0, a1, a2, a3 = accs
        off = j * (L * UNROLL)
        parts = []
        for u in range(UNROLL):
            x = idx_v[pl.ds(off + u * L, L)]
            parts.append(plsc.load_gather(s_ref, [x]))
        a0 = a0 + (parts[0] + parts[1])
        a1 = a1 + (parts[2] + parts[3])
        a2 = a2 + (parts[4] + parts[5])
        a3 = a3 + (parts[6] + parts[7])
        return a0, a1, a2, a3

    c1.wait()
    accs = lax.fori_loop(0, STEPS // 2, step, (zero, zero, zero, zero))
    c2.wait()
    a0, a1, a2, a3 = lax.fori_loop(STEPS // 2, STEPS, step, accs)
    acc_ref[...] = (a0 + a1) + (a2 + a3)

    pltpu.sync_copy(acc_ref, stage_hbm.at[wid])


_sc_call = functools.partial(
    pl.kernel,
    out_type=jax.ShapeDtypeStruct((NW, L), jnp.float32),
    mesh=plsc.VectorSubcoreMesh(
        core_axis_name="c", subcore_axis_name="s",
        num_cores=NC, num_subcores=NS),
    compiler_params=pltpu.CompilerParams(needs_layout_passes=False),
    scratch_types=[
        pltpu.VMEM((15, L), jnp.float32),
        pltpu.VMEM((L,), jnp.float32),
        pltpu.VMEM((CHUNK,), jnp.int32),
        pltpu.VMEM((L,), jnp.float32),
        pltpu.SemaphoreType.DMA,
        pltpu.SemaphoreType.DMA,
    ],
)(_body)


def kernel(eb_input, eb_offset, W0, W1, W2):
    del eb_offset
    x = eb_input.astype(jnp.int32)
    wall = jnp.pad(jnp.concatenate([W0, W1, W2], axis=0), ((0, 0), (0, 2)))
    stage = _sc_call(x, wall)
    return jnp.sum(stage)

# --- scband reference (transcript-rebuilt; emitter-appended) ---
"""Pipeline reference for scband-custom-model-embedding-bag-group-13993003451117 (READ-ONLY COPY).

The authoritative reference and input builder live on the scoring server;
editing this copy changes nothing except your own understanding.
"""

import jax, jax.numpy as jnp
import numpy as np


def _embedding_bag_sum(W, inp, offsets, num_bags):
    # torch.nn.EmbeddingBag(mode='sum'): bag b sums W[inp[offsets[b]:offsets[b+1]]],
    # last bag runs to the end of inp.
    seg = jnp.searchsorted(offsets, jnp.arange(inp.shape[0]), side='right') - 1
    return jax.ops.segment_sum(W[inp], seg, num_segments=num_bags)


def setup_inputs(seed: int = 0) -> dict:
    key = jax.random.key(seed)
    k0, k1, k2, k3 = jax.random.split(key, 4)
    eb_input = jax.random.randint(k0, (819200,), 0, 5, dtype=jnp.int64)
    eb_offset = jnp.arange(16384, dtype=jnp.int64)
    # Three shared tables: python list-replication ([m]*n) in the original module
    # means each group shares ONE EmbeddingBag's weight.
    W0 = jax.random.normal(k1, (5, 14), dtype=jnp.float32)
    W1 = jax.random.normal(k2, (5, 14), dtype=jnp.float32)
    W2 = jax.random.normal(k3, (5, 14), dtype=jnp.float32)
    return {"eb_input": eb_input, "eb_offset": eb_offset, "W0": W0, "W1": W1, "W2": W2}


def reference(eb_input, eb_offset, W0, W1, W2):
    B = eb_offset.shape[0]
    b0 = _embedding_bag_sum(W0, eb_input, eb_offset, B)
    eb_sum_0 = jnp.sum(jnp.concatenate([b0] * 5, axis=0), axis=0)[None, :]
    b1 = _embedding_bag_sum(W1, eb_input, eb_offset, B)
    eb_sum_1 = jnp.sum(jnp.concatenate([b1] * 10, axis=0), axis=0)[None, :]
    b2 = _embedding_bag_sum(W2, eb_input, eb_offset, B)
    eb_sum_2 = jnp.sum(jnp.concatenate([b2] * 6, axis=0), axis=0)[None, :]
    output = jnp.sum(jnp.concatenate([eb_sum_0, eb_sum_1, eb_sum_2], axis=0))
    return output

if __name__ == "__main__":
    import jax
    _d = setup_inputs()
    print(jax.jit(kernel)(*tuple(_d.values())))

</pallas_src>

<mosaic_0001>
#map = affine_map<(d0, d1) -> (0)>
#map1 = affine_map<(d0, d1) -> (0, 0)>
module attributes {stable_mosaic.version = 14 : i64} {
  func.func @_body(%arg0: i32, %arg1: i32, %arg2: memref<819200xi32, #tpu.memory_space<hbm>>, %arg3: memref<15x16xf32, #tpu.memory_space<hbm>>, %arg4: memref<32x16xf32, #tpu.memory_space<hbm>>, %arg5: memref<15x16xf32, #tpu.memory_space<vmem>>, %arg6: memref<16xf32, #tpu.memory_space<vmem>>, %arg7: memref<25600xi32, #tpu.memory_space<vmem>>, %arg8: memref<16xf32, #tpu.memory_space<vmem>>, %arg9: memref<!tpu.dma_semaphore, #tpu.memory_space<semaphore_mem>>, %arg10: memref<!tpu.dma_semaphore, #tpu.memory_space<semaphore_mem>>) attributes {dimension_semantics = [#tpu.dimension_semantics<core_parallel>, #tpu.dimension_semantics<subcore_parallel>], iteration_bounds = array<i64: 2, 16>, scalar_prefetch = 0 : i64, scratch_operands = 6 : i64, tpu.core_type = #tpu.core_type<sc_vector_subcore>, window_params = [{transform_indices = #map}, {transform_indices = #map1}, {transform_indices = #map1}]} {
    %mul3A = arith.constant 16 : i32
    %mul3A_0 = arith.muli %arg0, %mul3A : i32
    %add3A = arith.addi %mul3A_0, %arg1 : i32
    %iota3A = tpu.iota {dimensions = array<i32: 0>} : vector<16xi32>
    %broadcast_in_dim3A = arith.constant 0.000000e+00 : f32
    %broadcast_in_dim3A_1 = vector.broadcast %broadcast_in_dim3A : f32 to vector<16xf32>
    %mul3A_2 = arith.constant 25600 : i32
    %mul3A_3 = arith.muli %add3A, %mul3A_2 : i32
    %dma_start3A = arith.constant 0 : i32
    %dma_start3A_4 = tpu.memref_slice %arg7[%dma_start3A] : memref<25600xi32, #tpu.memory_space<vmem>> -> memref<12800xi32, #tpu.memory_space<vmem>>
    %dma_start3A_5 = tpu.memref_slice %arg2[%mul3A_3] : memref<819200xi32, #tpu.memory_space<hbm>> -> memref<12800xi32, #tpu.memory_space<hbm>>
    %dma_start3A_6 = arith.constant 0 : i32
    %dma_start3A_7 = tpu.memref_slice %arg7[%dma_start3A_6] : memref<25600xi32, #tpu.memory_space<vmem>> -> memref<12800xi32, #tpu.memory_space<vmem>>
    %dma_start3A_8 = tpu.memref_slice %arg2[%mul3A_3] : memref<819200xi32, #tpu.memory_space<hbm>> -> memref<12800xi32, #tpu.memory_space<hbm>>
    tpu.enqueue_dma source(%dma_start3A_8 : memref<12800xi32, #tpu.memory_space<hbm>>) target(%dma_start3A_7 : memref<12800xi32, #tpu.memory_space<vmem>>) target_semaphore(%arg9 : memref<!tpu.dma_semaphore, #tpu.memory_space<semaphore_mem>>)
    %add3A_9 = arith.constant 12800 : i32
    %add3A_10 = arith.addi %mul3A_3, %add3A_9 : i32
    %dma_start3A_11 = arith.constant 12800 : i32
    %dma_start3A_12 = tpu.memref_slice %arg7[%dma_start3A_11] : memref<25600xi32, #tpu.memory_space<vmem>> -> memref<12800xi32, #tpu.memory_space<vmem>>
    %dma_start3A_13 = tpu.memref_slice %arg2[%add3A_10] : memref<819200xi32, #tpu.memory_space<hbm>> -> memref<12800xi32, #tpu.memory_space<hbm>>
    %dma_start3A_14 = arith.constant 12800 : i32
    %dma_start3A_15 = tpu.memref_slice %arg7[%dma_start3A_14] : memref<25600xi32, #tpu.memory_space<vmem>> -> memref<12800xi32, #tpu.memory_space<vmem>>
    %dma_start3A_16 = tpu.memref_slice %arg2[%add3A_10] : memref<819200xi32, #tpu.memory_space<hbm>> -> memref<12800xi32, #tpu.memory_space<hbm>>
    tpu.enqueue_dma source(%dma_start3A_16 : memref<12800xi32, #tpu.memory_space<hbm>>) target(%dma_start3A_15 : memref<12800xi32, #tpu.memory_space<vmem>>) target_semaphore(%arg10 : memref<!tpu.dma_semaphore, #tpu.memory_space<semaphore_mem>>)
    "tpu.region"() ({
      %run_scoped3A = tpu.sem_alloc : memref<!tpu.dma_semaphore, #tpu.memory_space<semaphore_mem>>
      tpu.enqueue_dma source(%arg3 : memref<15x16xf32, #tpu.memory_space<hbm>>) target(%arg5 : memref<15x16xf32, #tpu.memory_space<vmem>>) target_semaphore(%run_scoped3A : memref<!tpu.dma_semaphore, #tpu.memory_space<semaphore_mem>>)
      tpu.wait_dma2 semaphore(%run_scoped3A : memref<!tpu.dma_semaphore, #tpu.memory_space<semaphore_mem>>) src(%arg3 : memref<15x16xf32, #tpu.memory_space<hbm>>) dst(%arg5 : memref<15x16xf32, #tpu.memory_space<vmem>>)
      tpu.yield
    }) : () -> ()
    %get3A = arith.constant 0 : i32
    %get3A_17 = arith.index_cast %get3A : i32 to index
    %get3A_18 = arith.constant 0 : index
    %get3A_19 = tpu.vector_load %arg5[%get3A_17, %get3A_18] {strides = array<i32>} : memref<15x16xf32, #tpu.memory_space<vmem>>, vector<16xf32>,
    %reduce_sum3A = arith.constant true
    %reduce_sum3A_20 = vector.broadcast %reduce_sum3A : i1 to vector<16xi1>
    %reduce_sum3A_21 = tpu.scan <sum>, %get3A_19 masked %reduce_sum3A_20 : vector<16xf32>, vector<16xi1> -> vector<16xf32>
    %reduce_sum3A_22 = vector.extract %reduce_sum3A_21[15] : f32 from vector<16xf32>
    %mul3A_23 = arith.constant 5.000000e+00 : f32
    %mul3A_24 = arith.mulf %mul3A_23, %reduce_sum3A_22 : f32
    %get3A_25 = arith.constant 5 : i32
    %get3A_26 = arith.index_cast %get3A_25 : i32 to index
    %get3A_27 = arith.constant 0 : index
    %get3A_28 = tpu.vector_load %arg5[%get3A_26, %get3A_27] {strides = array<i32>} : memref<15x16xf32, #tpu.memory_space<vmem>>, vector<16xf32>,
    %reduce_sum3A_29 = arith.constant true
    %reduce_sum3A_30 = vector.broadcast %reduce_sum3A_29 : i1 to vector<16xi1>
    %reduce_sum3A_31 = tpu.scan <sum>, %get3A_28 masked %reduce_sum3A_30 : vector<16xf32>, vector<16xi1> -> vector<16xf32>
    %reduce_sum3A_32 = vector.extract %reduce_sum3A_31[15] : f32 from vector<16xf32>
    %mul3A_33 = arith.constant 1.000000e+01 : f32
    %mul3A_34 = arith.mulf %mul3A_33, %reduce_sum3A_32 : f32
    %add3A_35 = arith.addf %mul3A_24, %mul3A_34 : f32
    %get3A_36 = arith.constant 10 : i32
    %get3A_37 = arith.index_cast %get3A_36 : i32 to index
    %get3A_38 = arith.constant 0 : index
    %get3A_39 = tpu.vector_load %arg5[%get3A_37, %get3A_38] {strides = array<i32>} : memref<15x16xf32, #tpu.memory_space<vmem>>, vector<16xf32>,
    %reduce_sum3A_40 = arith.constant true
    %reduce_sum3A_41 = vector.broadcast %reduce_sum3A_40 : i1 to vector<16xi1>
    %reduce_sum3A_42 = tpu.scan <sum>, %get3A_39 masked %reduce_sum3A_41 : vector<16xf32>, vector<16xi1> -> vector<16xf32>
    %reduce_sum3A_43 = vector.extract %reduce_sum3A_42[15] : f32 from vector<16xf32>
    %mul3A_44 = arith.constant 6.000000e+00 : f32
    %mul3A_45 = arith.mulf %mul3A_44, %reduce_sum3A_43 : f32
    %add3A_46 = arith.addf %add3A_35, %mul3A_45 : f32
    %eq3A = arith.constant 0 : i32
    %eq3A_47 = vector.broadcast %eq3A : i32 to vector<16xi32>
    %eq3A_48 = arith.cmpi eq, %iota3A, %eq3A_47 : vector<16xi32>
    %broadcast_in_dim3A_49 = vector.broadcast %add3A_46 : f32 to vector<16xf32>
    %select_n3A = arith.select %eq3A_48, %broadcast_in_dim3A_49, %broadcast_in_dim3A_1 : vector<16xi1>, vector<16xf32>
    %get3A_50 = arith.constant 1 : i32
    %get3A_51 = arith.index_cast %get3A_50 : i32 to index
    %get3A_52 = arith.constant 0 : index
    %get3A_53 = tpu.vector_load %arg5[%get3A_51, %get3A_52] {strides = array<i32>} : memref<15x16xf32, #tpu.memory_space<vmem>>, vector<16xf32>,
    %reduce_sum3A_54 = arith.constant true
    %reduce_sum3A_55 = vector.broadcast %reduce_sum3A_54 : i1 to vector<16xi1>
    %reduce_sum3A_56 = tpu.scan <sum>, %get3A_53 masked %reduce_sum3A_55 : vector<16xf32>, vector<16xi1> -> vector<16xf32>
    %reduce_sum3A_57 = vector.extract %reduce_sum3A_56[15] : f32 from vector<16xf32>
    %mul3A_58 = arith.constant 5.000000e+00 : f32
    %mul3A_59 = arith.mulf %mul3A_58, %reduce_sum3A_57 : f32
    %get3A_60 = arith.constant 6 : i32
    %get3A_61 = arith.index_cast %get3A_60 : i32 to index
    %get3A_62 = arith.constant 0 : index
    %get3A_63 = tpu.vector_load %arg5[%get3A_61, %get3A_62] {strides = array<i32>} : memref<15x16xf32, #tpu.memory_space<vmem>>, vector<16xf32>,
    %reduce_sum3A_64 = arith.constant true
    %reduce_sum3A_65 = vector.broadcast %reduce_sum3A_64 : i1 to vector<16xi1>
    %reduce_sum3A_66 = tpu.scan <sum>, %get3A_63 masked %reduce_sum3A_65 : vector<16xf32>, vector<16xi1> -> vector<16xf32>
    %reduce_sum3A_67 = vector.extract %reduce_sum3A_66[15] : f32 from vector<16xf32>
    %mul3A_68 = arith.constant 1.000000e+01 : f32
    %mul3A_69 = arith.mulf %mul3A_68, %reduce_sum3A_67 : f32
    %add3A_70 = arith.addf %mul3A_59, %mul3A_69 : f32
    %get3A_71 = arith.constant 11 : i32
    %get3A_72 = arith.index_cast %get3A_71 : i32 to index
    %get3A_73 = arith.constant 0 : index
    %get3A_74 = tpu.vector_load %arg5[%get3A_72, %get3A_73] {strides = array<i32>} : memref<15x16xf32, #tpu.memory_space<vmem>>, vector<16xf32>,
    %reduce_sum3A_75 = arith.constant true
    %reduce_sum3A_76 = vector.broadcast %reduce_sum3A_75 : i1 to vector<16xi1>
    %reduce_sum3A_77 = tpu.scan <sum>, %get3A_74 masked %reduce_sum3A_76 : vector<16xf32>, vector<16xi1> -> vector<16xf32>
    %reduce_sum3A_78 = vector.extract %reduce_sum3A_77[15] : f32 from vector<16xf32>
    %mul3A_79 = arith.constant 6.000000e+00 : f32
    %mul3A_80 = arith.mulf %mul3A_79, %reduce_sum3A_78 : f32
    %add3A_81 = arith.addf %add3A_70, %mul3A_80 : f32
    %eq3A_82 = arith.constant 1 : i32
    %eq3A_83 = vector.broadcast %eq3A_82 : i32 to vector<16xi32>
    %eq3A_84 = arith.cmpi eq, %iota3A, %eq3A_83 : vector<16xi32>
    %broadcast_in_dim3A_85 = vector.broadcast %add3A_81 : f32 to vector<16xf32>
    %select_n3A_86 = arith.select %eq3A_84, %broadcast_in_dim3A_85, %select_n3A : vector<16xi1>, vector<16xf32>
    %get3A_87 = arith.constant 2 : i32
    %get3A_88 = arith.index_cast %get3A_87 : i32 to index
    %get3A_89 = arith.constant 0 : index
    %get3A_90 = tpu.vector_load %arg5[%get3A_88, %get3A_89] {strides = array<i32>} : memref<15x16xf32, #tpu.memory_space<vmem>>, vector<16xf32>,
    %reduce_sum3A_91 = arith.constant true
    %reduce_sum3A_92 = vector.broadcast %reduce_sum3A_91 : i1 to vector<16xi1>
    %reduce_sum3A_93 = tpu.scan <sum>, %get3A_90 masked %reduce_sum3A_92 : vector<16xf32>, vector<16xi1> -> vector<16xf32>
    %reduce_sum3A_94 = vector.extract %reduce_sum3A_93[15] : f32 from vector<16xf32>
    %mul3A_95 = arith.constant 5.000000e+00 : f32
    %mul3A_96 = arith.mulf %mul3A_95, %reduce_sum3A_94 : f32
    %get3A_97 = arith.constant 7 : i32
    %get3A_98 = arith.index_cast %get3A_97 : i32 to index
    %get3A_99 = arith.constant 0 : index
    %get3A_100 = tpu.vector_load %arg5[%get3A_98, %get3A_99] {strides = array<i32>} : memref<15x16xf32, #tpu.memory_space<vmem>>, vector<16xf32>,
    %reduce_sum3A_101 = arith.constant true
    %reduce_sum3A_102 = vector.broadcast %reduce_sum3A_101 : i1 to vector<16xi1>
    %reduce_sum3A_103 = tpu.scan <sum>, %get3A_100 masked %reduce_sum3A_102 : vector<16xf32>, vector<16xi1> -> vector<16xf32>
    %reduce_sum3A_104 = vector.extract %reduce_sum3A_103[15] : f32 from vector<16xf32>
    %mul3A_105 = arith.constant 1.000000e+01 : f32
    %mul3A_106 = arith.mulf %mul3A_105, %reduce_sum3A_104 : f32
    %add3A_107 = arith.addf %mul3A_96, %mul3A_106 : f32
    %get3A_108 = arith.constant 12 : i32
    %get3A_109 = arith.index_cast %get3A_108 : i32 to index
    %get3A_110 = arith.constant 0 : index
    %get3A_111 = tpu.vector_load %arg5[%get3A_109, %get3A_110] {strides = array<i32>} : memref<15x16xf32, #tpu.memory_space<vmem>>, vector<16xf32>,
    %reduce_sum3A_112 = arith.constant true
    %reduce_sum3A_113 = vector.broadcast %reduce_sum3A_112 : i1 to vector<16xi1>
    %reduce_sum3A_114 = tpu.scan <sum>, %get3A_111 masked %reduce_sum3A_113 : vector<16xf32>, vector<16xi1> -> vector<16xf32>
    %reduce_sum3A_115 = vector.extract %reduce_sum3A_114[15] : f32 from vector<16xf32>
    %mul3A_116 = arith.constant 6.000000e+00 : f32
    %mul3A_117 = arith.mulf %mul3A_116, %reduce_sum3A_115 : f32
    %add3A_118 = arith.addf %add3A_107, %mul3A_117 : f32
    %eq3A_119 = arith.constant 2 : i32
    %eq3A_120 = vector.broadcast %eq3A_119 : i32 to vector<16xi32>
    %eq3A_121 = arith.cmpi eq, %iota3A, %eq3A_120 : vector<16xi32>
    %broadcast_in_dim3A_122 = vector.broadcast %add3A_118 : f32 to vector<16xf32>
    %select_n3A_123 = arith.select %eq3A_121, %broadcast_in_dim3A_122, %select_n3A_86 : vector<16xi1>, vector<16xf32>
    %get3A_124 = arith.constant 3 : i32
    %get3A_125 = arith.index_cast %get3A_124 : i32 to index
    %get3A_126 = arith.constant 0 : index
    %get3A_127 = tpu.vector_load %arg5[%get3A_125, %get3A_126] {strides = array<i32>} : memref<15x16xf32, #tpu.memory_space<vmem>>, vector<16xf32>,
    %reduce_sum3A_128 = arith.constant true
    %reduce_sum3A_129 = vector.broadcast %reduce_sum3A_128 : i1 to vector<16xi1>
    %reduce_sum3A_130 = tpu.scan <sum>, %get3A_127 masked %reduce_sum3A_129 : vector<16xf32>, vector<16xi1> -> vector<16xf32>
    %reduce_sum3A_131 = vector.extract %reduce_sum3A_130[15] : f32 from vector<16xf32>
    %mul3A_132 = arith.constant 5.000000e+00 : f32
    %mul3A_133 = arith.mulf %mul3A_132, %reduce_sum3A_131 : f32
    %get3A_134 = arith.constant 8 : i32
    %get3A_135 = arith.index_cast %get3A_134 : i32 to index
    %get3A_136 = arith.constant 0 : index
    %get3A_137 = tpu.vector_load %arg5[%get3A_135, %get3A_136] {strides = array<i32>} : memref<15x16xf32, #tpu.memory_space<vmem>>, vector<16xf32>,
    %reduce_sum3A_138 = arith.constant true
    %reduce_sum3A_139 = vector.broadcast %reduce_sum3A_138 : i1 to vector<16xi1>
    %reduce_sum3A_140 = tpu.scan <sum>, %get3A_137 masked %reduce_sum3A_139 : vector<16xf32>, vector<16xi1> -> vector<16xf32>
    %reduce_sum3A_141 = vector.extract %reduce_sum3A_140[15] : f32 from vector<16xf32>
    %mul3A_142 = arith.constant 1.000000e+01 : f32
    %mul3A_143 = arith.mulf %mul3A_142, %reduce_sum3A_141 : f32
    %add3A_144 = arith.addf %mul3A_133, %mul3A_143 : f32
    %get3A_145 = arith.constant 13 : i32
    %get3A_146 = arith.index_cast %get3A_145 : i32 to index
    %get3A_147 = arith.constant 0 : index
    %get3A_148 = tpu.vector_load %arg5[%get3A_146, %get3A_147] {strides = array<i32>} : memref<15x16xf32, #tpu.memory_space<vmem>>, vector<16xf32>,
    %reduce_sum3A_149 = arith.constant true
    %reduce_sum3A_150 = vector.broadcast %reduce_sum3A_149 : i1 to vector<16xi1>
    %reduce_sum3A_151 = tpu.scan <sum>, %get3A_148 masked %reduce_sum3A_150 : vector<16xf32>, vector<16xi1> -> vector<16xf32>
    %reduce_sum3A_152 = vector.extract %reduce_sum3A_151[15] : f32 from vector<16xf32>
    %mul3A_153 = arith.constant 6.000000e+00 : f32
    %mul3A_154 = arith.mulf %mul3A_153, %reduce_sum3A_152 : f32
    %add3A_155 = arith.addf %add3A_144, %mul3A_154 : f32
    %eq3A_156 = arith.constant 3 : i32
    %eq3A_157 = vector.broadcast %eq3A_156 : i32 to vector<16xi32>
    %eq3A_158 = arith.cmpi eq, %iota3A, %eq3A_157 : vector<16xi32>
    %broadcast_in_dim3A_159 = vector.broadcast %add3A_155 : f32 to vector<16xf32>
    %select_n3A_160 = arith.select %eq3A_158, %broadcast_in_dim3A_159, %select_n3A_123 : vector<16xi1>, vector<16xf32>
    %get3A_161 = arith.constant 4 : i32
    %get3A_162 = arith.index_cast %get3A_161 : i32 to index
    %get3A_163 = arith.constant 0 : index
    %get3A_164 = tpu.vector_load %arg5[%get3A_162, %get3A_163] {strides = array<i32>} : memref<15x16xf32, #tpu.memory_space<vmem>>, vector<16xf32>,
    %reduce_sum3A_165 = arith.constant true
    %reduce_sum3A_166 = vector.broadcast %reduce_sum3A_165 : i1 to vector<16xi1>
    %reduce_sum3A_167 = tpu.scan <sum>, %get3A_164 masked %reduce_sum3A_166 : vector<16xf32>, vector<16xi1> -> vector<16xf32>
    %reduce_sum3A_168 = vector.extract %reduce_sum3A_167[15] : f32 from vector<16xf32>
    %mul3A_169 = arith.constant 5.000000e+00 : f32
    %mul3A_170 = arith.mulf %mul3A_169, %reduce_sum3A_168 : f32
    %get3A_171 = arith.constant 9 : i32
    %get3A_172 = arith.index_cast %get3A_171 : i32 to index
    %get3A_173 = arith.constant 0 : index
    %get3A_174 = tpu.vector_load %arg5[%get3A_172, %get3A_173] {strides = array<i32>} : memref<15x16xf32, #tpu.memory_space<vmem>>, vector<16xf32>,
    %reduce_sum3A_175 = arith.constant true
    %reduce_sum3A_176 = vector.broadcast %reduce_sum3A_175 : i1 to vector<16xi1>
    %reduce_sum3A_177 = tpu.scan <sum>, %get3A_174 masked %reduce_sum3A_176 : vector<16xf32>, vector<16xi1> -> vector<16xf32>
    %reduce_sum3A_178 = vector.extract %reduce_sum3A_177[15] : f32 from vector<16xf32>
    %mul3A_179 = arith.constant 1.000000e+01 : f32
    %mul3A_180 = arith.mulf %mul3A_179, %reduce_sum3A_178 : f32
    %add3A_181 = arith.addf %mul3A_170, %mul3A_180 : f32
    %get3A_182 = arith.constant 14 : i32
    %get3A_183 = arith.index_cast %get3A_182 : i32 to index
    %get3A_184 = arith.constant 0 : index
    %get3A_185 = tpu.vector_load %arg5[%get3A_183, %get3A_184] {strides = array<i32>} : memref<15x16xf32, #tpu.memory_space<vmem>>, vector<16xf32>,
    %reduce_sum3A_186 = arith.constant true
    %reduce_sum3A_187 = vector.broadcast %reduce_sum3A_186 : i1 to vector<16xi1>
    %reduce_sum3A_188 = tpu.scan <sum>, %get3A_185 masked %reduce_sum3A_187 : vector<16xf32>, vector<16xi1> -> vector<16xf32>
    %reduce_sum3A_189 = vector.extract %reduce_sum3A_188[15] : f32 from vector<16xf32>
    %mul3A_190 = arith.constant 6.000000e+00 : f32
    %mul3A_191 = arith.mulf %mul3A_190, %reduce_sum3A_189 : f32
    %add3A_192 = arith.addf %add3A_181, %mul3A_191 : f32
    %eq3A_193 = arith.constant 4 : i32
    %eq3A_194 = vector.broadcast %eq3A_193 : i32 to vector<16xi32>
    %eq3A_195 = arith.cmpi eq, %iota3A, %eq3A_194 : vector<16xi32>
    %broadcast_in_dim3A_196 = vector.broadcast %add3A_192 : f32 to vector<16xf32>
    %select_n3A_197 = arith.select %eq3A_195, %broadcast_in_dim3A_196, %select_n3A_160 : vector<16xi1>, vector<16xf32>
    %swap3A = arith.constant 0 : index
    %swap3A_198 = tpu.vector_load %arg6[%swap3A] {strides = array<i32>} : memref<16xf32, #tpu.memory_space<vmem>>, vector<16xf32>,
    tpu.vector_store %arg6[%swap3A], %select_n3A_197 {strides = array<i32>} : memref<16xf32, #tpu.memory_space<vmem>>, vector<16xf32>,
    %dma_wait3A = arith.constant 0 : i32
    %dma_wait3A_199 = tpu.memref_slice %arg7[%dma_wait3A] : memref<25600xi32, #tpu.memory_space<vmem>> -> memref<12800xi32, #tpu.memory_space<vmem>>
    %dma_wait3A_200 = tpu.memref_slice %arg2[%mul3A_3] : memref<819200xi32, #tpu.memory_space<hbm>> -> memref<12800xi32, #tpu.memory_space<hbm>>
    %dma_wait3A_201 = arith.constant 0 : i32
    %dma_wait3A_202 = tpu.memref_slice %arg7[%dma_wait3A_201] : memref<25600xi32, #tpu.memory_space<vmem>> -> memref<12800xi32, #tpu.memory_space<vmem>>
    %dma_wait3A_203 = tpu.memref_slice %arg2[%mul3A_3] : memref<819200xi32, #tpu.memory_space<hbm>> -> memref<12800xi32, #tpu.memory_space<hbm>>
    tpu.wait_dma2 semaphore(%arg9 : memref<!tpu.dma_semaphore, #tpu.memory_space<semaphore_mem>>) src(%dma_wait3A_203 : memref<12800xi32, #tpu.memory_space<hbm>>) dst(%dma_wait3A_202 : memref<12800xi32, #tpu.memory_space<vmem>>)
    %scan3A = arith.constant 0 : i32
    %scan3A_204 = arith.constant 100 : i32
    %scan3A_205 = arith.addi %scan3A, %scan3A_204 : i32
    %scan3A_206 = arith.constant 1 : i32
    %scan3A_207:4 = scf.for %scan3A_226 = %scan3A to %scan3A_205 step %scan3A_206 iter_args(%scan3A_227 = %broadcast_in_dim3A_1, %scan3A_228 = %broadcast_in_dim3A_1, %scan3A_229 = %broadcast_in_dim3A_1, %scan3A_230 = %broadcast_in_dim3A_1) -> (vector<16xf32>, vector<16xf32>, vector<16xf32>, vector<16xf32>)  : i32 {
      %mul3A_231 = arith.constant 128 : i32
      %mul3A_232 = arith.muli %scan3A_226, %mul3A_231 : i32
      %add3A_233 = arith.constant 0 : i32
      %add3A_234 = arith.addi %mul3A_232, %add3A_233 : i32
      %get3A_235 = arith.index_cast %add3A_234 : i32 to index
      %get3A_236 = tpu.vector_load %arg7[%get3A_235] {strides = array<i32>} : memref<25600xi32, #tpu.memory_space<vmem>>, vector<16xi32>,
      %gather3A = tpu.vector_load_idx %arg6[%get3A_236] : memref<16xf32, #tpu.memory_space<vmem>>[vector<16xi32>], vector<16xf32>,
      %add3A_237 = arith.constant 16 : i32
      %add3A_238 = arith.addi %mul3A_232, %add3A_237 : i32
      %get3A_239 = arith.index_cast %add3A_238 : i32 to index
      %get3A_240 = tpu.vector_load %arg7[%get3A_239] {strides = array<i32>} : memref<25600xi32, #tpu.memory_space<vmem>>, vector<16xi32>,
      %gather3A_241 = tpu.vector_load_idx %arg6[%get3A_240] : memref<16xf32, #tpu.memory_space<vmem>>[vector<16xi32>], vector<16xf32>,
      %add3A_242 = arith.constant 32 : i32
      %add3A_243 = arith.addi %mul3A_232, %add3A_242 : i32
      %get3A_244 = arith.index_cast %add3A_243 : i32 to index
      %get3A_245 = tpu.vector_load %arg7[%get3A_244] {strides = array<i32>} : memref<25600xi32, #tpu.memory_space<vmem>>, vector<16xi32>,
      %gather3A_246 = tpu.vector_load_idx %arg6[%get3A_245] : memref<16xf32, #tpu.memory_space<vmem>>[vector<16xi32>], vector<16xf32>,
      %add3A_247 = arith.constant 48 : i32
      %add3A_248 = arith.addi %mul3A_232, %add3A_247 : i32
      %get3A_249 = arith.index_cast %add3A_248 : i32 to index
      %get3A_250 = tpu.vector_load %arg7[%get3A_249] {strides = array<i32>} : memref<25600xi32, #tpu.memory_space<vmem>>, vector<16xi32>,
      %gather3A_251 = tpu.vector_load_idx %arg6[%get3A_250] : memref<16xf32, #tpu.memory_space<vmem>>[vector<16xi32>], vector<16xf32>,
      %add3A_252 = arith.constant 64 : i32
      %add3A_253 = arith.addi %mul3A_232, %add3A_252 : i32
      %get3A_254 = arith.index_cast %add3A_253 : i32 to index
      %get3A_255 = tpu.vector_load %arg7[%get3A_254] {strides = array<i32>} : memref<25600xi32, #tpu.memory_space<vmem>>, vector<16xi32>,
      %gather3A_256 = tpu.vector_load_idx %arg6[%get3A_255] : memref<16xf32, #tpu.memory_space<vmem>>[vector<16xi32>], vector<16xf32>,
      %add3A_257 = arith.constant 80 : i32
      %add3A_258 = arith.addi %mul3A_232, %add3A_257 : i32
      %get3A_259 = arith.index_cast %add3A_258 : i32 to index
      %get3A_260 = tpu.vector_load %arg7[%get3A_259] {strides = array<i32>} : memref<25600xi32, #tpu.memory_space<vmem>>, vector<16xi32>,
      %gather3A_261 = tpu.vector_load_idx %arg6[%get3A_260] : memref<16xf32, #tpu.memory_space<vmem>>[vector<16xi32>], vector<16xf32>,
      %add3A_262 = arith.constant 96 : i32
      %add3A_263 = arith.addi %mul3A_232, %add3A_262 : i32
      %get3A_264 = arith.index_cast %add3A_263 : i32 to index
      %get3A_265 = tpu.vector_load %arg7[%get3A_264] {strides = array<i32>} : memref<25600xi32, #tpu.memory_space<vmem>>, vector<16xi32>,
      %gather3A_266 = tpu.vector_load_idx %arg6[%get3A_265] : memref<16xf32, #tpu.memory_space<vmem>>[vector<16xi32>], vector<16xf32>,
      %add3A_267 = arith.constant 112 : i32
      %add3A_268 = arith.addi %mul3A_232, %add3A_267 : i32
      %get3A_269 = arith.index_cast %add3A_268 : i32 to index
      %get3A_270 = tpu.vector_load %arg7[%get3A_269] {strides = array<i32>} : memref<25600xi32, #tpu.memory_space<vmem>>, vector<16xi32>,
      %gather3A_271 = tpu.vector_load_idx %arg6[%get3A_270] : memref<16xf32, #tpu.memory_space<vmem>>[vector<16xi32>], vector<16xf32>,
      %add3A_272 = arith.addf %gather3A, %gather3A_241 : vector<16xf32>
      %add3A_273 = arith.addf %scan3A_227, %add3A_272 : vector<16xf32>
      %add3A_274 = arith.addf %gather3A_246, %gather3A_251 : vector<16xf32>
      %add3A_275 = arith.addf %scan3A_228, %add3A_274 : vector<16xf32>
      %add3A_276 = arith.addf %gather3A_256, %gather3A_261 : vector<16xf32>
      %add3A_277 = arith.addf %scan3A_229, %add3A_276 : vector<16xf32>
      %add3A_278 = arith.addf %gather3A_266, %gather3A_271 : vector<16xf32>
      %add3A_279 = arith.addf %scan3A_230, %add3A_278 : vector<16xf32>
      scf.yield %add3A_273, %add3A_275, %add3A_277, %add3A_279 : vector<16xf32>, vector<16xf32>, vector<16xf32>, vector<16xf32>
    }
    %scan3A_208 = arith.constant 100 : i32
    %dma_wait3A_209 = arith.constant 12800 : i32
    %dma_wait3A_210 = tpu.memref_slice %arg7[%dma_wait3A_209] : memref<25600xi32, #tpu.memory_space<vmem>> -> memref<12800xi32, #tpu.memory_space<vmem>>
    %dma_wait3A_211 = tpu.memref_slice %arg2[%add3A_10] : memref<819200xi32, #tpu.memory_space<hbm>> -> memref<12800xi32, #tpu.memory_space<hbm>>
    %dma_wait3A_212 = arith.constant 12800 : i32
    %dma_wait3A_213 = tpu.memref_slice %arg7[%dma_wait3A_212] : memref<25600xi32, #tpu.memory_space<vmem>> -> memref<12800xi32, #tpu.memory_space<vmem>>
    %dma_wait3A_214 = tpu.memref_slice %arg2[%add3A_10] : memref<819200xi32, #tpu.memory_space<hbm>> -> memref<12800xi32, #tpu.memory_space<hbm>>
    tpu.wait_dma2 semaphore(%arg10 : memref<!tpu.dma_semaphore, #tpu.memory_space<semaphore_mem>>) src(%dma_wait3A_214 : memref<12800xi32, #tpu.memory_space<hbm>>) dst(%dma_wait3A_213 : memref<12800xi32, #tpu.memory_space<vmem>>)
    %scan3A_215 = arith.constant 100 : i32
    %scan3A_216 = arith.constant 100 : i32
    %scan3A_217 = arith.addi %scan3A_215, %scan3A_216 : i32
    %scan3A_218 = arith.constant 1 : i32
    %scan3A_219:4 = scf.for %scan3A_226 = %scan3A_215 to %scan3A_217 step %scan3A_218 iter_args(%scan3A_227 = %scan3A_207#0, %scan3A_228 = %scan3A_207#1, %scan3A_229 = %scan3A_207#2, %scan3A_230 = %scan3A_207#3) -> (vector<16xf32>, vector<16xf32>, vector<16xf32>, vector<16xf32>)  : i32 {
      %mul3A_231 = arith.constant 128 : i32
      %mul3A_232 = arith.muli %scan3A_226, %mul3A_231 : i32
      %add3A_233 = arith.constant 0 : i32
      %add3A_234 = arith.addi %mul3A_232, %add3A_233 : i32
      %get3A_235 = arith.index_cast %add3A_234 : i32 to index
      %get3A_236 = tpu.vector_load %arg7[%get3A_235] {strides = array<i32>} : memref<25600xi32, #tpu.memory_space<vmem>>, vector<16xi32>,
      %gather3A = tpu.vector_load_idx %arg6[%get3A_236] : memref<16xf32, #tpu.memory_space<vmem>>[vector<16xi32>], vector<16xf32>,
      %add3A_237 = arith.constant 16 : i32
      %add3A_238 = arith.addi %mul3A_232, %add3A_237 : i32
      %get3A_239 = arith.index_cast %add3A_238 : i32 to index
      %get3A_240 = tpu.vector_load %arg7[%get3A_239] {strides = array<i32>} : memref<25600xi32, #tpu.memory_space<vmem>>, vector<16xi32>,
      %gather3A_241 = tpu.vector_load_idx %arg6[%get3A_240] : memref<16xf32, #tpu.memory_space<vmem>>[vector<16xi32>], vector<16xf32>,
      %add3A_242 = arith.constant 32 : i32
      %add3A_243 = arith.addi %mul3A_232, %add3A_242 : i32
      %get3A_244 = arith.index_cast %add3A_243 : i32 to index
      %get3A_245 = tpu.vector_load %arg7[%get3A_244] {strides = array<i32>} : memref<25600xi32, #tpu.memory_space<vmem>>, vector<16xi32>,
      %gather3A_246 = tpu.vector_load_idx %arg6[%get3A_245] : memref<16xf32, #tpu.memory_space<vmem>>[vector<16xi32>], vector<16xf32>,
      %add3A_247 = arith.constant 48 : i32
      %add3A_248 = arith.addi %mul3A_232, %add3A_247 : i32
      %get3A_249 = arith.index_cast %add3A_248 : i32 to index
      %get3A_250 = tpu.vector_load %arg7[%get3A_249] {strides = array<i32>} : memref<25600xi32, #tpu.memory_space<vmem>>, vector<16xi32>,
      %gather3A_251 = tpu.vector_load_idx %arg6[%get3A_250] : memref<16xf32, #tpu.memory_space<vmem>>[vector<16xi32>], vector<16xf32>,
      %add3A_252 = arith.constant 64 : i32
      %add3A_253 = arith.addi %mul3A_232, %add3A_252 : i32
      %get3A_254 = arith.index_cast %add3A_253 : i32 to index
      %get3A_255 = tpu.vector_load %arg7[%get3A_254] {strides = array<i32>} : memref<25600xi32, #tpu.memory_space<vmem>>, vector<16xi32>,
      %gather3A_256 = tpu.vector_load_idx %arg6[%get3A_255] : memref<16xf32, #tpu.memory_space<vmem>>[vector<16xi32>], vector<16xf32>,
      %add3A_257 = arith.constant 80 : i32
      %add3A_258 = arith.addi %mul3A_232, %add3A_257 : i32
      %get3A_259 = arith.index_cast %add3A_258 : i32 to index
      %get3A_260 = tpu.vector_load %arg7[%get3A_259] {strides = array<i32>} : memref<25600xi32, #tpu.memory_space<vmem>>, vector<16xi32>,
      %gather3A_261 = tpu.vector_load_idx %arg6[%get3A_260] : memref<16xf32, #tpu.memory_space<vmem>>[vector<16xi32>], vector<16xf32>,
      %add3A_262 = arith.constant 96 : i32
      %add3A_263 = arith.addi %mul3A_232, %add3A_262 : i32
      %get3A_264 = arith.index_cast %add3A_263 : i32 to index
      %get3A_265 = tpu.vector_load %arg7[%get3A_264] {strides = array<i32>} : memref<25600xi32, #tpu.memory_space<vmem>>, vector<16xi32>,
      %gather3A_266 = tpu.vector_load_idx %arg6[%get3A_265] : memref<16xf32, #tpu.memory_space<vmem>>[vector<16xi32>], vector<16xf32>,
      %add3A_267 = arith.constant 112 : i32
      %add3A_268 = arith.addi %mul3A_232, %add3A_267 : i32
      %get3A_269 = arith.index_cast %add3A_268 : i32 to index
      %get3A_270 = tpu.vector_load %arg7[%get3A_269] {strides = array<i32>} : memref<25600xi32, #tpu.memory_space<vmem>>, vector<16xi32>,
      %gather3A_271 = tpu.vector_load_idx %arg6[%get3A_270] : memref<16xf32, #tpu.memory_space<vmem>>[vector<16xi32>], vector<16xf32>,
      %add3A_272 = arith.addf %gather3A, %gather3A_241 : vector<16xf32>
      %add3A_273 = arith.addf %scan3A_227, %add3A_272 : vector<16xf32>
      %add3A_274 = arith.addf %gather3A_246, %gather3A_251 : vector<16xf32>
      %add3A_275 = arith.addf %scan3A_228, %add3A_274 : vector<16xf32>
      %add3A_276 = arith.addf %gather3A_256, %gather3A_261 : vector<16xf32>
      %add3A_277 = arith.addf %scan3A_229, %add3A_276 : vector<16xf32>
      %add3A_278 = arith.addf %gather3A_266, %gather3A_271 : vector<16xf32>
      %add3A_279 = arith.addf %scan3A_230, %add3A_278 : vector<16xf32>
      scf.yield %add3A_273, %add3A_275, %add3A_277, %add3A_279 : vector<16xf32>, vector<16xf32>, vector<16xf32>, vector<16xf32>
    }
    %scan3A_220 = arith.constant 100 : i32
    %add3A_221 = arith.addf %scan3A_219#0, %scan3A_219#1 : vector<16xf32>
    %add3A_222 = arith.addf %scan3A_219#2, %scan3A_219#3 : vector<16xf32>
    %add3A_223 = arith.addf %add3A_221, %add3A_222 : vector<16xf32>
    %swap3A_224 = arith.constant 0 : index
    %swap3A_225 = tpu.vector_load %arg8[%swap3A_224] {strides = array<i32>} : memref<16xf32, #tpu.memory_space<vmem>>, vector<16xf32>,
    tpu.vector_store %arg8[%swap3A_224], %add3A_223 {strides = array<i32>} : memref<16xf32, #tpu.memory_space<vmem>>, vector<16xf32>,
    "tpu.region"() ({
      %run_scoped3A = tpu.sem_alloc : memref<!tpu.dma_semaphore, #tpu.memory_space<semaphore_mem>>
      %dma_start3A_226 = arith.constant 0 : i32
      %dma_start3A_227 = tpu.memref_slice %arg4[%add3A, %dma_start3A_226] : memref<32x16xf32, #tpu.memory_space<hbm>> -> memref<1x16xf32, #tpu.memory_space<hbm>>
      %dma_start3A_228 = tpu.memref_squeeze %dma_start3A_227 : memref<1x16xf32, #tpu.memory_space<hbm>> -> memref<16xf32, #tpu.memory_space<hbm>>
      %dma_start3A_229 = arith.constant 0 : i32
      %dma_start3A_230 = tpu.memref_slice %arg4[%add3A, %dma_start3A_229] : memref<32x16xf32, #tpu.memory_space<hbm>> -> memref<1x16xf32, #tpu.memory_space<hbm>>
      %dma_start3A_231 = tpu.memref_squeeze %dma_start3A_230 : memref<1x16xf32, #tpu.memory_space<hbm>> -> memref<16xf32, #tpu.memory_space<hbm>>
      tpu.enqueue_dma source(%arg8 : memref<16xf32, #tpu.memory_space<vmem>>) target(%dma_start3A_231 : memref<16xf32, #tpu.memory_space<hbm>>) target_semaphore(%run_scoped3A : memref<!tpu.dma_semaphore, #tpu.memory_space<semaphore_mem>>)
      %dma_wait3A_232 = arith.constant 0 : i32
      %dma_wait3A_233 = tpu.memref_slice %arg4[%add3A, %dma_wait3A_232] : memref<32x16xf32, #tpu.memory_space<hbm>> -> memref<1x16xf32, #tpu.memory_space<hbm>>
      %dma_wait3A_234 = tpu.memref_squeeze %dma_wait3A_233 : memref<1x16xf32, #tpu.memory_space<hbm>> -> memref<16xf32, #tpu.memory_space<hbm>>
      %dma_wait3A_235 = arith.constant 0 : i32
      %dma_wait3A_236 = tpu.memref_slice %arg4[%add3A, %dma_wait3A_235] : memref<32x16xf32, #tpu.memory_space<hbm>> -> memref<1x16xf32, #tpu.memory_space<hbm>>
      %dma_wait3A_237 = tpu.memref_squeeze %dma_wait3A_236 : memref<1x16xf32, #tpu.memory_space<hbm>> -> memref<16xf32, #tpu.memory_space<hbm>>
      tpu.wait_dma2 semaphore(%run_scoped3A : memref<!tpu.dma_semaphore, #tpu.memory_space<semaphore_mem>>) src(%arg8 : memref<16xf32, #tpu.memory_space<vmem>>) dst(%dma_wait3A_237 : memref<16xf32, #tpu.memory_space<hbm>>)
      tpu.yield
    }) : () -> ()
    return
  }
}

</mosaic_0001>

<sc_bundles>
// kernel: kernel.3.cloned.1.call-start
scs
__scs_entry_jumppad:
0x0: {  	(pc) =	sbr.rel $0x88, $3  }
0x1: {  	(tag) =	ssettag $0x0;
	lr =	simm.s32 $0x1  }
0x2: {  	[smem:$0x3F9D] =	sst lr;
	_ =	strace $0xD0000000  }
0x3: {  	_ = 	snop  }
0x4: {  	_ = 	snop  }
0x5: {  	_ = 	snop  }
0x6: {  	_ = 	snop  }
0x7: {  	_ = 	snop  }
__scs_overlays_trampoline_lowered:
0x8: {  	[smem:$0x3FAC] =	sst s0  }
0x9: {  	[smem:$0x3FAD] =	sst s1  }
0xa: {  	[smem:$0x3FAE] =	sst s2  }
0xb: {  	[smem:$0x3FAF] =	sst s3  }
0xc: {  	[smem:$0x3FB0] =	sst s4  }
0xd: {  	[smem:$0x3FB1] =	sst s5  }
0xe: {  	[smem:$0x3FB2] =	sst s6  }
0xf: {  	[smem:$0x3FB3] =	sst s7  }
0x10: {  	[smem:$0x3FB4] =	sst s8  }
0x11: {  	[smem:$0x3FB5] =	sst s9;
	s0 =	simm.s32 @!p0 $0x0  }
0x12: {  	s1 =	sld [smem:$0x3F9B];
	s0 =	simm.s32 @p0 $0x1  }
0x13: {  	[smem:$0x3FB6] =	sst s0;
	s0 =	simm.s32 @!p1 $0x0  }
0x14: {  	s2 =	sld [smem:$0x3F9A];
	s0 =	simm.s32 @p1 $0x1  }
0x15: {  	[smem:$0x3FB7] =	sst s0;
	s0 =	simm.s32 @!p2 $0x0  }
0x16: {  	s3 =	sld [smem:$0x3FDB];
	s0 =	simm.s32 @p2 $0x1  }
0x17: {  	s4 =	simm.s32 $0x1BF5;
	[smem:$0x3FB9] =	sst s0  }
0x18: {  	s0 =	sld [smem:$0x3F9C];
	_ =	swait.ge [sflag:s4], $0x0  }
0x19: {  	s7 =	sld [smem:$0x3F9D]  }
0x1a: {  	s8 =	sadd.s32 $0xFFFFE003, lr  }
0x1b: {  	s9 =	sadd.s32 $0xFFFFFEF7, lr;
	s5 =	simm.s32 $0xFFFFFFFF;
	p2 =	slt.u32 s8, $0xFFFFF086  }
0x1c: {  	p1 =	slt.u32 s9, $0xF7A;
	s5 =	simm.s32 @!p2 $0x0  }
0x1d: {  	s5 =	simm.s32 @p1 $0x1;
	p0 =	seq.s32 s7, s2  }
0x1e: {  	s7 =	smul.u32 @!p0 $0xF7A, s2;
	p2 =	seq.s32 @!p0 s5, $0x0  }
0x1f: {  	s9 =	smul.u32 $0xF7A, s1;
	s8 =	simm.s32 @!p0 $0x1BF5;
	p2 =	por !p2, p0  }
0x20: {  	[sflag:s8] =	ssyncset.s32 @!p0 $0xFFFFF086;
	s6 =	sadd.s32 @!p0 s3, s7;
	s7 =	simm.s32 @!p0 $0x108  }
0x21: {  	s3 =	sadd.s32 s3, s9;
	s6 =	sadd.s32 @!p0 $0x88, s6;
	s7 =	simm.s32 @p2 $0x1082  }
0x22: {  	[simem:s7], [sflag:s8] =	dma.local @!p0 [hbm:s6], $0xF7A  }
0x23: {  	s9 =	sor.u32 $0xD0000000, s2;
	s6 =	simm.s32 $0x108;
	_ =	swait.ge @!p0 [sflag:s8], $0x0  }
0x24: {  	s3 =	sadd.s32 $0x88, s3;
	s6 =	simm.s32 @!p1 $0x1082;
	[sflag:s4] =	ssyncset.s32 $0xFFFFF086  }
0x25: {  	[simem:s6], [sflag:s4] =	dma.local [hbm:s3], $0xF7A  }
0x26: {  	[smem:$0x3F9D] =	sst s1;
	(tag) =	ssettag s2;
	_ =	strace s9  }
0x27: {  	s1 =	sld [smem:$0x3FAD]  }
0x28: {  	s2 =	sld [smem:$0x3FAE]  }
0x29: {  	s4 =	sld [smem:$0x3FB0]  }
0x2a: {  	p0 =	seq.s32 s5, $0x0;
	s5 =	sld [smem:$0x3FB1]  }
0x2b: {  	s6 =	sld [smem:$0x3FB2]  }
0x2c: {  	s7 =	sld [smem:$0x3FB3]  }
0x2d: {  	s3 =	simm.s32 $0x108;
	s8 =	sld [smem:$0x3FB4]  }
0x2e: {  	s3 =	simm.s32 @!p0 $0x1082;
	s9 =	sld [smem:$0x3FB5]  }
0x2f: {  	lr =	sadd.s32 s0, s3;
	s0 =	sld [smem:$0x3FAC]  }
0x30: {  	s3 =	sld [smem:$0x3FAF]  }
0x31: {  	[smem:$0x3FB8] =	sst s10  }
0x32: {  	s10 =	sld [smem:$0x3FB6];
	_ =	sdelay $0x3  }
0x33: {  	p0 =	seq.s32 s10, $0x1;
	s10 =	sld [smem:$0x3FB8];
	_ =	sdelay $0x3  }
0x34: {  	[smem:$0x3FB8] =	sst s10  }
0x35: {  	s10 =	sld [smem:$0x3FB7];
	_ =	sdelay $0x3  }
0x36: {  	p1 =	seq.s32 s10, $0x1;
	s10 =	sld [smem:$0x3FB8];
	_ =	sdelay $0x3  }
0x37: {  	[smem:$0x3FB8] =	sst s10  }
0x38: {  	s10 =	sld [smem:$0x3FB9]  }
0x39: {  	_ = 	snop;
	(pc) =	sbr.ind lr, $3  }
0x3a: {  	_ = 	snop  }
0x3b: {  	_ = 	snop  }
0x3c: {  	p2 =	seq.s32 s10, $0x1;
	s10 =	sld [smem:$0x3FB8]  }
0x3d: {  	_ =	shalt  }
0x3e: {  	_ =	shalt  }
0x3f: {  	_ =	shalt  }
0x40: {  	_ =	shalt  }
0x41: {  	_ =	shalt  }
0x42: {  	_ =	shalt  }
0x43: {  	_ =	shalt  }
0x44: {  	_ =	shalt  }
0x45: {  	_ =	shalt  }
0x46: {  	_ =	shalt  }
0x47: {  	_ =	shalt  }
0x48: {  	_ =	shalt  }
0x49: {  	_ =	shalt  }
0x4a: {  	_ =	shalt  }
0x4b: {  	_ =	shalt  }
0x4c: {  	_ =	shalt  }
0x4d: {  	_ =	shalt  }
0x4e: {  	_ =	shalt  }
0x4f: {  	_ =	shalt  }
0x50: {  	_ =	shalt  }
0x51: {  	_ =	shalt  }
0x52: {  	_ =	shalt  }
0x53: {  	_ =	shalt  }
0x54: {  	_ =	shalt  }
0x55: {  	_ =	shalt  }
0x56: {  	_ =	shalt  }
0x57: {  	_ =	shalt  }
0x58: {  	_ =	shalt  }
0x59: {  	_ =	shalt  }
0x5a: {  	_ =	shalt  }
0x5b: {  	_ =	shalt  }
0x5c: {  	_ =	shalt  }
0x5d: {  	_ =	shalt  }
0x5e: {  	_ =	shalt  }
0x5f: {  	_ =	shalt  }
0x60: {  	_ =	shalt  }
0x61: {  	_ =	shalt  }
0x62: {  	_ =	shalt  }
0x63: {  	_ =	shalt  }
0x64: {  	_ =	shalt  }
0x65: {  	_ =	shalt  }
0x66: {  	_ =	shalt  }
0x67: {  	_ =	shalt  }
0x68: {  	_ =	shalt  }
0x69: {  	_ =	shalt  }
0x6a: {  	_ =	shalt  }
0x6b: {  	_ =	shalt  }
0x6c: {  	_ =	shalt  }
0x6d: {  	_ =	shalt  }
0x6e: {  	_ =	shalt  }
0x6f: {  	_ =	shalt  }
0x70: {  	_ =	shalt  }
0x71: {  	_ =	shalt  }
0x72: {  	_ =	shalt  }
0x73: {  	_ =	shalt  }
0x74: {  	_ =	shalt  }
0x75: {  	_ =	shalt  }
0x76: {  	_ =	shalt  }
0x77: {  	_ =	shalt  }
0x78: {  	_ =	shalt  }
0x79: {  	_ =	shalt  }
0x7a: {  	_ =	shalt  }
0x7b: {  	_ =	shalt  }
0x7c: {  	_ =	shalt  }
0x7d: {  	_ =	shalt  }
0x7e: {  	_ =	shalt  }
0x7f: {  	_ =	shalt  }
0x80: {  	_ =	shalt  }
0x81: {  	_ =	shalt  }
0x82: {  	_ =	shalt  }
0x83: {  	_ =	shalt  }
0x84: {  	_ =	shalt  }
0x85: {  	_ =	shalt  }
0x86: {  	_ =	shalt  }
0x87: {  	_ =	shalt  }
.Lfunc_end0:
.L_simem_size_0:
called_computation_lowered:
.L_overlay_start_0:
0x88: {  	s2 =	sld [smem:$0x3FD9]  }
0x89: {  	s3 =	sld [smem:$0x3FFE];
	_ =	sdelay $0x1  }
0x8a: {  	s1 =	srdreg.scid  }
0x8b: {  	s0 =	sand.u32 $0x1, s1  }
0x8c: {  	s17 =	sshll.u32 s0, $0xA;
	s2 =	sadd.s32 s3, s2  }
0x8d: {  	s2 =	sadd.s32 s2, s17  }
0x8e: {  	[smem:$0x3FC4] =	sst s2  }
0x8f: {  	_ = 	snop  }
0x90: {  	s2 =	sld [smem:$0x3FC9];
	(tm) =	ssettm $0x1  }
0x91: {  	s18 =	sld [smem:$0x3FFB];
	_ =	sdelay $0x3  }
0x92: {  	_ =	strace s18  }
0x93: {  	s3 =	sld [smem:$0x3FFC];
	_ =	sdelay $0x3  }
0x94: {  	_ =	strace s3  }
0x95: {  	s3 =	sld [smem:$0x3FFD];
	_ =	sdelay $0x3  }
0x96: {  	_ =	strace s3  }
0x97: {  	_ =	strace $0x8FFFFFFF  }
0x98: {  	s19 =	sld [smem:$0x3FDB];
	_ =	sdelay $0x1  }
0x99: {  	s4 =	simm.s32 $_scs_section_size  }
0x9a: {  	s5 =	simm.s32 $_size__tile_overlayer_lowered;
	s6 =	simm.s32 $_tile_overlayer_lowered  }
0x9b: {  	s22 =	simm.s32 $0x1BFF;
	s21 =	sshll.u32 s6, $0x1;
	s3 =	sadd.s32 s4, s19  }
0x9c: {  	s7 =	simm.s32 $0x0;
	s20 =	sshll.u32 s5, $0x1;
	s5 =	sadd.s32 s21, s3  }
0x9d: {  	[timem:s7], [sflag:s22] =	dma.local [hbm:s5], s20  }
0x9e: {  	_ =	swait.ge [sflag:s22], s20  }
0x9f: {  	s4 =	ssub.s32 $0x0, s20;
	[sflag:s22] =	ssyncset.done $0x0  }
0xa0: {  	[sflag:s22] =	ssyncadd.s32 s4;
	_ =	sdelay $0x1  }
0xa1: {  	s23 =	simm.s32 $0x1B8B  }
0xa2: {  	_ =	swait.ge [sflag:s23], $0x1  }
0xa3: {  	[sflag:s23] =	ssyncset.done $0x0  }
0xa4: {  	s25 =	simm.s32 $0x1B8E;
	s24 =	sld [smem:$0x3FFE];
	[sflag:s23] =	ssyncadd.s32 $0xFFFFFFFF  }
0xa5: {  	s26 =	simm.s32 $execute0_lowered;
	[smem:$0x3FD2] =	sst s25  }
0xa6: {  	s5 =	sshll.u32 s26, $0x1;
	_ =	strace $0x80000046;
	[dreg:$0x1] =	wrdreg $0xFFFFFFFF  }
0xa7: {  	s28 =	simm.s32 $_size_execute0_lowered;
	s3 =	sadd.s32 s3, s5;
	[dreg:$0x0] =	wrdreg $0x0  }
0xa8: {  	s5 =	sshll.u32 s28, $0x1;
	[dreg:$0x2] =	wrdreg s3  }
0xa9: {  	[dreg:$0x3] =	wrdreg s5  }
0xaa: {  	[dreg:$0x4] =	wrdreg $0xC0  }
0xab: {  	_ =	task [dreg:s7], $0x5FFFF  }
0xac: {  	[dreg:$0x1] =	wrdreg $0xFFFFFFFF  }
0xad: {  	[dreg:$0x0] =	wrdreg $0x60  }
0xae: {  	[dreg:$0x2] =	wrdreg s2  }
0xaf: {  	[dreg:$0x3] =	wrdreg s24  }
0xb0: {  	[dreg:$0x4] =	wrdreg $0x9  }
0xb1: {  	_ =	task.clear_ibuf [dreg:s7], $0x5FFFF;
	_ =	strace $0x90000046  }
0xb2: {  	s29 =	simm.s32 $0x9;
	_ =	strace $0x80000048  }
0xb3: {  	_ =	swait.ge [sflag:s29], $0x1  }
0xb4: {  	[sflag:s29] =	ssyncadd.s32 $0xFFFFFFFF  }
0xb5: {  	_ =	strace $0x90000048  }
0xb6: {  	_ =	sfence  }
0xb7: {  	s30 =	sld [smem:$0x0];
	_ =	sdelay $0x2  }
0xb8: {  	s31 =	sshll.u32 s1, $0xD;
	s1 =	sshrl.u32 s1, $0x2  }
0xb9: {  	s3 =	sand.u32 $0x4000, s31;
	s1 =	sadd.s32 s1, s30  }
0xba: {  	s0 =	sor.u32 s3, s0;
	s1 =	sshll.u32 s1, $0x11  }
0xbb: {  	s0 =	sor.u32 s1, s0  }
0xbc: {  	s0 =	sadd.s32 $0x8F2B, s0  }
0xbd: {  	[sflag:s0] =	ssyncadd.remote.s32 $0x1  }
0xbe: {  	_ =	sfence.sel $0xFFFF  }
0xbf: {  	[dreg:$0x0] =	wrdreg $0xFFFFFFFF;
	(pc) =	sbr.abs _section_cstart, $3  }
0xc0: {  	[dreg:$0x1] =	wrdreg $0xFFFFFFFF  }
0xc1: {  	_ =	task.clear_ibuf [dreg:s7], $0x2FFFF;
	_ =	strace $0x9FFFFFFF  }
0xc2: {  	(tm) =	ssettm $0x7FFFFFFF  }
0xc3: {  	_ =	shalt  }
tec
execute0_lowered:
.L_overlay_start_1:
0x0: {  	(tag) =	ssettag $0x1  }
0x1: {  	s4 =	rddreg [dreg:$0x0];
	s0 =	srdreg.scid  }
0x2: {  	s2 =	rddreg [dreg:$0x1];
	s1 =	stileid.u32  }
0x3: {  	s3 =	simm.s32 $0x0;
	s10 =	simm.s32 $0x3;
	s11 =	simm.s32 $0x1  }
0x4: {  	s12 =	simm.s32 $0x800;
	s13 =	simm.s32 $0x2;
	s14 =	simm.s32 $0x6C80  }
0x5: {  	s15 =	simm.s32 $0x0;
	s5 =	sand.u32 $0x1, s0;
	s0 =	rddreg [dreg:$0x2]  }
0x6: {  	s7 =	sshll.u32 s1, $0x4;
	[smem:$0x7FF] =	sst s3;
	s6 =	sshll.u32 s5, $0x4  }
0x7: {  	s7 =	sand.u32 $0x70, s7;
	s5 =	ssub.s32 $0x2, s5;
	s6 =	sor.u32 s1, s6  }
0x8: {  	_ =	strace $0x80000047;
	s9 =	sshrl.u32 s5, $0x1;
	s8 =	smul.u32 $0x6400, s6  }
0x9: {  	s7 =	sadd.s32 s7, s2;
	s6 =	sshll.u32 s6, $0x4;
	s31 =	ssub.s32 s5, s9  }
0xa: {  	s9 =	simm.s32 $0x3A80;
	s6 =	sand.u32 $0x180, s6;
	s8 =	sshrl.u32 s8, $0x3  }
0xb: {  	vm0 =	vcmask $0x300;
	vm1 =	vcmask $0x704;
	s6 =	sadd.s32 s6, s7;
	s7 =	smax.u32 s31, $0x1;
	s4 =	sadd.s32 s4, s8  }
0xc: {  	vm2 =	vcmask $0xB08;
	vm3 =	vcmask $0xF0C;
	vm4 =	vcmask $0x1310;
	s6 =	sadd.s32 $0x200, s6;
	s8 =	simm.s32 $0x880;
	s5 =	sadd.s32 $0x640, s4  }
.LBB2_1:
0xd: {  	[tilespmem:s8], [sflag:$0x1] =	stream.linear.gather [hbm4b:s4+s3], $0x3200, $0x38;
	[tilespmem:$0x6D00] =	vst v63  }
0xe: {  	_ = 	snop  }
0xf: {  	[tilespmem:s9], [sflag:$0x2] =	stream.linear.gather [hbm4b:s5+s3], $0x3200, $0x38;
	[tilespmem:$0x6D00] =	vst v63  }
0x10: {  	_ = 	snop  }
0x11: {  	[tilespmem:s3], [sflag:$0x3] =	stream.linear.gather [hbm4b:s2+s3], $0x780, $0x38;
	[tilespmem:$0x6D00] =	vst v63  }
0x12: {  	_ =	swait.ge [sflag:s10], $0x780  }
0x13: {  	[sflag:s10] =	ssyncset.done $0x0  }
0x14: {  	[sflag:s10] =	ssyncadd.s32 $0xFFFFF880  }
0x15: {  	v0 =	vld [tilespmem:$0x0]  }
0x16: {  	v1 =	vld [tilespmem:$0x280]  }
0x17: {  	v2 =	vld [tilespmem:$0x500]  }
0x18: {  	v3 =	vld [tilespmem:$0x80]  }
0x19: {  	v4 =	vld [tilespmem:$0x300]  }
0x1a: {  	(xrf2) =	vadd.scan.msk.f32 $0xffff, v0  }
0x1b: {  	(xrf2) =	vadd.scan.msk.f32 $0xffff, v1  }
0x1c: {  	v0 =	vld [tilespmem:$0x580];
	(xrf2) =	vadd.scan.msk.f32 $0xffff, v2  }
0x1d: {  	v1 =	vld [tilespmem:$0x100];
	(xrf2) =	vadd.scan.msk.f32 $0xffff, v3  }
0x1e: {  	v2 =	vld [tilespmem:$0x380];
	(xrf2) =	vadd.scan.msk.f32 $0xffff, v4  }
0x1f: {  	v3 =	vld [tilespmem:$0x600];
	_ =	sdelay $0x1  }
0x20: {  	(xrf2) =	vadd.scan.msk.f32 $0xffff, v0;
	v0 =	vld [tilespmem:$0x180]  }
0x21: {  	(xrf2) =	vadd.scan.msk.f32 $0xffff, v1;
	v1 =	vld [tilespmem:$0x400]  }
0x22: {  	(xrf2) =	vadd.scan.msk.f32 $0xffff, v2  }
0x23: {  	(xrf2) =	vadd.scan.msk.f32 $0xffff, v3;
	v3, _, _ =	vpop (xrf2)  }
0x24: {  	v2 =	vld [tilespmem:$0x680];
	(v2sf) =	vpush v3, $0xF;
	v3, _, _ =	vpop (xrf2)  }
0x25: {  	(xrf2) =	vadd.scan.msk.f32 $0xffff, v0;
	v0 =	vld [tilespmem:$0x200];
	v4, _, _ =	vpop (xrf2);
	(v2sf) =	vpush v3, $0xF  }
0x26: {  	(xrf2) =	vadd.scan.msk.f32 $0xffff, v1;
	v1 =	vld [tilespmem:$0x480];
	(v2sf) =	vpush v4, $0xF;
	v3, _, _ =	vpop (xrf2)  }
0x27: {  	(v2sf) =	vpush v3, $0xF;
	v3, _, _ =	vpop (xrf2)  }
0x28: {  	(v2sf) =	vpush v3, $0xF;
	v3 =	vld [tilespmem:$0x700]  }
0x29: {  	(xrf2) =	vadd.scan.msk.f32 $0xffff, v2  }
0x2a: {  	(xrf2) =	vadd.scan.msk.f32 $0xffff, v0  }
0x2b: {  	v2, _, _ =	vpop (xrf2);
	(xrf2) =	vadd.scan.msk.f32 $0xffff, v1  }
0x2c: {  	(v2sf) =	vpush v2, $0xF;
	v2, _, _ =	vpop (xrf2)  }
0x2d: {  	(v2sf) =	vpush v2, $0xF;
	v0, _, _ =	vpop (xrf2);
	(xrf2) =	vadd.scan.msk.f32 $0xffff, v3  }
0x2e: {  	(v2sf) =	vpush v0, $0xF  }
0x2f: {  	v0, _, _ =	vpop (xrf2)  }
0x30: {  	(v2sf) =	vpush v0, $0xF  }
0x31: {  	v0, _, _ =	vpop (xrf2)  }
0x32: {  	(v2sf) =	vpush v0, $0xF;
	v0, _, _ =	vpop (xrf2)  }
0x33: {  	v1, _, _ =	vpop (xrf2);
	(v2sf) =	vpush v0, $0xF  }
0x34: {  	(v2sf) =	vpush v1, $0xF;
	v0, _, _ =	vpop (xrf2)  }
0x35: {  	s16 =	spop (v2sf);
	(v2sf) =	vpush v0, $0xF;
	v0, _, _ =	vpop (xrf2)  }
0x36: {  	s17 =	spop (v2sf);
	(v2sf) =	vpush v0, $0xF  }
0x37: {  	s16 =	smul.f32 $5.000000000e+00, s16;
	s18 =	spop (v2sf);
	v0, _, _ =	vpop (xrf2)  }
0x38: {  	s17 =	smul.f32 $1.000000000e+01, s17;
	s19 =	spop (v2sf);
	(v2sf) =	vpush v0, $0xF  }
0x39: {  	s25 =	smul.f32 $6.000000000e+00, s18;
	s20 =	spop (v2sf)  }
0x3a: {  	s16 =	sadd.f32 s17, s16;
	s19 =	smul.f32 $5.000000000e+00, s19  }
0x3b: {  	s21 =	spop (v2sf);
	s28 =	smul.f32 $1.000000000e+01, s20  }
0x3c: {  	s22 =	spop (v2sf);
	s16 =	sadd.f32 s25, s16  }
0x3d: {  	s21 =	smul.f32 $6.000000000e+00, s21;
	s23 =	spop (v2sf)  }
0x3e: {  	s17 =	sadd.f32 s28, s19;
	s30 =	smul.f32 $5.000000000e+00, s22  }
0x3f: {  	s26 =	spop (v2sf);
	s23 =	smul.f32 $1.000000000e+01, s23  }
0x40: {  	s17 =	sadd.f32 s21, s17;
	s18 =	smul.f32 $6.000000000e+00, s26  }
0x41: {  	s29 =	spop (v2sf);
	s19 =	sadd.f32 s23, s30  }
0x42: {  	s31 =	spop (v2sf);
	s20 =	smul.f32 $5.000000000e+00, s29  }
0x43: {  	s24 =	spop (v2sf);
	s26 =	smul.f32 $1.000000000e+01, s31  }
0x44: {  	s21 =	smul.f32 $6.000000000e+00, s24;
	s25 =	spop (v2sf)  }
0x45: {  	s28 =	spop (v2sf);
	s23 =	smul.f32 $5.000000000e+00, s25  }
0x46: {  	s18 =	sadd.f32 s18, s19;
	s29 =	smul.f32 $1.000000000e+01, s28  }
0x47: {  	v0 =	vmov s16;
	s19 =	sadd.f32 s26, s20;
	s30 =	spop (v2sf)  }
0x48: {  	v0 =	vnsel vm0, $0x0, v0;
	s20 =	sadd.f32 s29, s23;
	s16 =	smul.f32 $6.000000000e+00, s30  }
0x49: {  	v0 =	vsel vm1, s17, v0;
	s19 =	sadd.f32 s21, s19  }
0x4a: {  	v0 =	vsel vm2, s18, v0;
	s16 =	sadd.f32 s16, s20  }
0x4b: {  	v0 =	vsel vm3, s19, v0  }
0x4c: {  	v0 =	vsel vm4, s16, v0  }
0x4d: {  	[tilespmem:$0x800] =	vst v0  }
0x4e: {  	_ =	swait.ge [sflag:s11], $0x3200  }
0x4f: {  	[sflag:s11] =	ssyncset.done $0x0  }
0x50: {  	s31 =	simm.s32 $0x0;
	[sflag:s11] =	ssyncadd.s32 $0xFFFFCE00  }
0x51: {  	v0 =	vld [tilespmem:s31+$0x8E0]  }
0x52: {  	v1 =	vld [tilespmem:s31+$0x8F0]  }
0x53: {  	v2 =	vld [tilespmem:s31+$0x880]  }
0x54: {  	v3 =	vld [tilespmem:s31+$0x890]  }
0x55: {  	v4 =	vld [tilespmem:s31+$0x8A0]  }
0x56: {  	v7 =	vld [tilespmem:s31+$0x8B0]  }
0x57: {  	v8 =	vld [tilespmem:s31+$0x8C0]  }
0x58: {  	v10 =	vld [tilespmem:s31+$0x8D0]  }
0x59: {  	v11 =	vld.idx.msk [tilespmem:v0+s12+$0x0], $0xffff  }
0x5a: {  	v1 =	vld.idx.msk [tilespmem:v1+s12+$0x0], $0xffff  }
0x5b: {  	v6 =	vld.idx.msk [tilespmem:v2+s12+$0x0], $0xffff  }
0x5c: {  	v9 =	vld.idx.msk [tilespmem:v3+s12+$0x0], $0xffff  }
0x5d: {  	v5 =	vld.idx.msk [tilespmem:v4+s12+$0x0], $0xffff  }
0x5e: {  	v7 =	vld.idx.msk [tilespmem:v7+s12+$0x0], $0xffff  }
0x5f: {  	v4 =	vld.idx.msk [tilespmem:v8+s12+$0x0], $0xffff  }
0x60: {  	s17 =	simm.s32 $0x80;
	v0 =	vimm.f32 $0.0e+00;
	v8 =	vld.idx.msk [tilespmem:v10+s12+$0x0], $0xffff;
	v10 =	vadd.f32 v1, v11  }
0x61: {  	s16 =	simm.s32 $0x400;
	v2 =	vimm.f32 $0.0e+00;
	v3 =	vimm.f32 $0.0e+00;
	v11 =	vld [tilespmem:s17+$0x8E0];
	v1 =	vimm.f32 $0.0e+00  }
.LBB2_2:
0x62: {  	p0 =	sne.s32 s16, $0xC600;
	v12 =	vld [tilespmem:s17+$0x8F0];
	v6 =	vadd.f32 v9, v6;
	v0 =	vadd.f32 v10, v0  }
0x63: {  	v9 =	vld [tilespmem:s17+$0x880]  }
0x64: {  	v5 =	vadd.f32 v7, v5;
	v10 =	vld [tilespmem:s17+$0x890];
	v2 =	vadd.f32 v6, v2  }
0x65: {  	v7 =	vld [tilespmem:s17+$0x8A0]  }
0x66: {  	v3 =	vadd.f32 v5, v3;
	v4 =	vadd.f32 v8, v4;
	v13 =	vld [tilespmem:s17+$0x8B0]  }
0x67: {  	v8 =	vld [tilespmem:s17+$0x8C0]  }
0x68: {  	v1 =	vadd.f32 v4, v1;
	v14 =	vld [tilespmem:s17+$0x8D0]  }
0x69: {  	v11 =	vld.idx.msk [tilespmem:v11+s12+$0x0], $0xffff  }
0x6a: {  	v12 =	vld.idx.msk [tilespmem:v12+s12+$0x0], $0xffff  }
0x6b: {  	v6 =	vld.idx.msk [tilespmem:v9+s12+$0x0], $0xffff  }
0x6c: {  	v9 =	vld.idx.msk [tilespmem:v10+s12+$0x0], $0xffff  }
.Ltmp0:
0x6d: {  	v5 =	vld.idx.msk [tilespmem:v7+s12+$0x0], $0xffff;
	(pc) =	sbr.rel @p0 .LBB2_2-.Ltmp0, $4  }
0x6e: {  	v7 =	vld.idx.msk [tilespmem:v13+s12+$0x0], $0xffff  }
0x6f: {  	v4 =	vld.idx.msk [tilespmem:v8+s12+$0x0], $0xffff  }
0x70: {  	s17 =	sshra.s32 s16, $0x2;
	v10 =	vadd.f32 v12, v11;
	v8 =	vld.idx.msk [tilespmem:v14+s12+$0x0], $0xffff  }
0x71: {  	s16 =	sadd.s32 $0x200, s16;
	v11 =	vld [tilespmem:s17+$0x8E0]  }
0x72: {  	_ = 	snop  }
0x73: {  	v12 =	vld [tilespmem:s17+$0x8F0]  }
0x74: {  	v13 =	vld [tilespmem:s17+$0x880]  }
0x75: {  	v14 =	vld [tilespmem:s17+$0x890]  }
0x76: {  	v15 =	vld [tilespmem:s17+$0x8A0]  }
0x77: {  	v16 =	vld [tilespmem:s17+$0x8B0]  }
0x78: {  	v17 =	vld [tilespmem:s17+$0x8C0]  }
0x79: {  	v18 =	vld [tilespmem:s17+$0x8D0]  }
0x7a: {  	v11 =	vld.idx.msk [tilespmem:v11+s12+$0x0], $0xffff  }
0x7b: {  	v12 =	vld.idx.msk [tilespmem:v12+s12+$0x0], $0xffff  }
0x7c: {  	v13 =	vld.idx.msk [tilespmem:v13+s12+$0x0], $0xffff  }
0x7d: {  	v14 =	vld.idx.msk [tilespmem:v14+s12+$0x0], $0xffff  }
0x7e: {  	v15 =	vld.idx.msk [tilespmem:v15+s12+$0x0], $0xffff  }
0x7f: {  	v16 =	vld.idx.msk [tilespmem:v16+s12+$0x0], $0xffff  }
0x80: {  	v17 =	vld.idx.msk [tilespmem:v17+s12+$0x0], $0xffff  }
0x81: {  	v18 =	vld.idx.msk [tilespmem:v18+s12+$0x0], $0xffff;
	_ =	swait.ge [sflag:s13], $0x3200  }
0x82: {  	[sflag:s13] =	ssyncset.done $0x0  }
0x83: {  	s16 =	simm.s32 $0x0;
	[sflag:s13] =	ssyncadd.s32 $0xFFFFCE00  }
0x84: {  	v19 =	vld [tilespmem:s16+$0x3AE0]  }
0x85: {  	v6 =	vadd.f32 v9, v6;
	v20 =	vld [tilespmem:s16+$0x3AF0]  }
0x86: {  	v5 =	vadd.f32 v7, v5;
	v8 =	vadd.f32 v8, v4;
	v21 =	vld [tilespmem:s16+$0x3A80]  }
0x87: {  	v0 =	vadd.f32 v10, v0;
	v2 =	vadd.f32 v6, v2;
	v22 =	vld [tilespmem:s16+$0x3A90]  }
0x88: {  	v3 =	vadd.f32 v5, v3;
	v10 =	vadd.f32 v8, v1;
	v23 =	vld [tilespmem:s16+$0x3AA0]  }
0x89: {  	v24 =	vld [tilespmem:s16+$0x3AB0];
	v1 =	vadd.f32 v12, v11;
	v9 =	vadd.f32 v14, v13  }
0x8a: {  	v25 =	vld [tilespmem:s16+$0x3AC0];
	v11 =	vadd.f32 v16, v15;
	v63 =	vadd.f32 v18, v17  }
0x8b: {  	s17 =	simm.s32 $0x80;
	v26 =	vld [tilespmem:s16+$0x3AD0];
	v0 =	vadd.f32 v1, v0;
	v1 =	vadd.f32 v9, v2  }
0x8c: {  	v2 =	vadd.f32 v11, v3;
	v3 =	vadd.f32 v63, v10;
	v10 =	vld [tilespmem:s17+$0x3AE0]  }
0x8d: {  	v19 =	vld.idx.msk [tilespmem:v19+s12+$0x0], $0xffff  }
0x8e: {  	v20 =	vld.idx.msk [tilespmem:v20+s12+$0x0], $0xffff  }
0x8f: {  	v4 =	vld.idx.msk [tilespmem:v21+s12+$0x0], $0xffff  }
0x90: {  	v7 =	vld.idx.msk [tilespmem:v22+s12+$0x0], $0xffff  }
0x91: {  	v5 =	vld.idx.msk [tilespmem:v23+s12+$0x0], $0xffff  }
0x92: {  	v8 =	vld.idx.msk [tilespmem:v24+s12+$0x0], $0xffff  }
0x93: {  	v6 =	vld.idx.msk [tilespmem:v25+s12+$0x0], $0xffff;
	v11 =	vadd.f32 v20, v19  }
0x94: {  	s16 =	simm.s32 $0x400;
	v9 =	vld.idx.msk [tilespmem:v26+s12+$0x0], $0xffff  }
.LBB2_4:
0x95: {  	p0 =	sne.s32 s16, $0xC600;
	v12 =	vld [tilespmem:s17+$0x3AF0];
	v4 =	vadd.f32 v7, v4;
	v0 =	vadd.f32 v11, v0  }
0x96: {  	v7 =	vld [tilespmem:s17+$0x3A80]  }
0x97: {  	v11 =	vld [tilespmem:s17+$0x3A90];
	v1 =	vadd.f32 v4, v1;
	v4 =	vadd.f32 v8, v5  }
0x98: {  	v5 =	vld [tilespmem:s17+$0x3AA0]  }
0x99: {  	v8 =	vld [tilespmem:s17+$0x3AB0];
	v2 =	vadd.f32 v4, v2;
	v4 =	vadd.f32 v9, v6  }
0x9a: {  	v6 =	vld [tilespmem:s17+$0x3AC0]  }
0x9b: {  	v9 =	vld [tilespmem:s17+$0x3AD0];
	v3 =	vadd.f32 v4, v3  }
0x9c: {  	v10 =	vld.idx.msk [tilespmem:v10+s12+$0x0], $0xffff  }
0x9d: {  	v12 =	vld.idx.msk [tilespmem:v12+s12+$0x0], $0xffff  }
0x9e: {  	v4 =	vld.idx.msk [tilespmem:v7+s12+$0x0], $0xffff  }
0x9f: {  	v7 =	vld.idx.msk [tilespmem:v11+s12+$0x0], $0xffff  }
.Ltmp1:
0xa0: {  	v5 =	vld.idx.msk [tilespmem:v5+s12+$0x0], $0xffff;
	(pc) =	sbr.rel @p0 .LBB2_4-.Ltmp1, $4  }
0xa1: {  	v8 =	vld.idx.msk [tilespmem:v8+s12+$0x0], $0xffff  }
0xa2: {  	v6 =	vld.idx.msk [tilespmem:v6+s12+$0x0], $0xffff  }
0xa3: {  	s17 =	sshra.s32 s16, $0x2;
	v11 =	vadd.f32 v12, v10;
	v9 =	vld.idx.msk [tilespmem:v9+s12+$0x0], $0xffff  }
0xa4: {  	s16 =	sadd.s32 $0x200, s16;
	v10 =	vld [tilespmem:s17+$0x3AE0]  }
0xa5: {  	_ = 	snop  }
0xa6: {  	v12 =	vld [tilespmem:s17+$0x3AF0]  }
0xa7: {  	v13 =	vld [tilespmem:s17+$0x3A80]  }
0xa8: {  	v14 =	vld [tilespmem:s17+$0x3A90]  }
0xa9: {  	v15 =	vld [tilespmem:s17+$0x3AA0]  }
0xaa: {  	v16 =	vld [tilespmem:s17+$0x3AB0]  }
0xab: {  	v17 =	vld [tilespmem:s17+$0x3AC0]  }
0xac: {  	v18 =	vld [tilespmem:s17+$0x3AD0]  }
0xad: {  	v10 =	vld.idx.msk [tilespmem:v10+s12+$0x0], $0xffff  }
0xae: {  	v12 =	vld.idx.msk [tilespmem:v12+s12+$0x0], $0xffff  }
0xaf: {  	v13 =	vld.idx.msk [tilespmem:v13+s12+$0x0], $0xffff  }
0xb0: {  	v14 =	vld.idx.msk [tilespmem:v14+s12+$0x0], $0xffff  }
0xb1: {  	v15 =	vld.idx.msk [tilespmem:v15+s12+$0x0], $0xffff  }
0xb2: {  	v16 =	vld.idx.msk [tilespmem:v16+s12+$0x0], $0xffff  }
0xb3: {  	v17 =	vld.idx.msk [tilespmem:v17+s12+$0x0], $0xffff  }
0xb4: {  	v4 =	vadd.f32 v7, v4;
	v60 =	vld.idx.msk [tilespmem:v18+s12+$0x0], $0xffff  }
0xb5: {  	v5 =	vadd.f32 v8, v5;
	v6 =	vadd.f32 v9, v6  }
0xb6: {  	v0 =	vadd.f32 v11, v0;
	v1 =	vadd.f32 v4, v1  }
0xb7: {  	v2 =	vadd.f32 v5, v2;
	v3 =	vadd.f32 v6, v3  }
0xb8: {  	v61 =	vadd.f32 v12, v10;
	v62 =	vadd.f32 v14, v13  }
0xb9: {  	v63 =	vadd.f32 v16, v15;
	v7 =	vadd.f32 v60, v17  }
0xba: {  	v0 =	vadd.f32 v61, v0;
	v1 =	vadd.f32 v62, v1  }
0xbb: {  	v2 =	vadd.f32 v63, v2;
	v3 =	vadd.f32 v7, v3;
	_ =	sdelay $0x1  }
0xbc: {  	v1 =	vadd.f32 v2, v1;
	v0 =	vadd.f32 v0, v3;
	_ =	sdelay $0x1  }
0xbd: {  	s15 =	sadd.s32 $0x1, s15;
	v0 =	vadd.f32 v0, v1  }
0xbe: {  	p0 =	sne.s32 s15, s7  }
.Ltmp2:
0xbf: {  	[tilespmem:$0x6C80] =	vst v0;
	(pc) =	sbr.rel @p0 .LBB2_1-.Ltmp2, $4  }
0xc0: {  	[hbm4b:s6+s3] =	stream.linear.scatter [tilespmem:s14], [sflag:$0x3], $0x80, $0x38;
	[tilespmem:$0x6D00] =	vst v63  }
0xc1: {  	_ =	swait.ge [sflag:s10], $0x80  }
0xc2: {  	[sflag:s10] =	ssyncset.done $0x0  }
0xc3: {  	[sflag:s10] =	ssyncadd.s32 $0xFFFFFF80  }
0xc4: {  	_ =	sfence.sel $0x180000  }
0xc5: {  	[bflag:$0x0] =	sbarrier.arrive $0xFFFF  }
0xc6: {  	p0 =	sne.s32 s1, $0x0;
	_ =	strace $0x90000047  }
0xc7: {  	s0 =	sadd.s32 @!p0 $0x100000, s0;
	[bflag:$0x2] =	sbarrier.arrive $0xFFFF  }
0xc8: {  	[sflag:s0] =	ssyncadd.tile.s32 @!p0 $0x1;
	_ =	shalt  }
.Lfunc_end2:
_tile_overlayer_lowered:
.L_overlay_start_2:
0xc9: {  	(tag) =	ssettag $0x2  }
0xca: {  	s0 =	rddreg [dreg:$0x0];
	s2 =	stileid.u32  }
0xcb: {  	s1 =	rddreg [dreg:$0x1];
	p0 =	sne.s32 s2, $0x0  }
0xcc: {  	s3 =	rddreg [dreg:$0x2];
	[bflag:$0x3] =	sbarrier.arrive $0xFFFF;
	s2 =	simm.s32 @!p0 $0x1C03  }
0xcd: {  	[timem:s3], [sflag:s2] =	dma.local @!p0 [hbm:s0], s1  }
0xce: {  	s0 =	simm.s32 @!p0 $0x3  }
0xcf: {  	_ =	swait.ge @!p0 [sflag:s0], s1  }
0xd0: {  	s1 =	ssub.s32 @!p0 $0x0, s1;
	[sflag:s0] =	ssyncset.done @!p0 $0x0  }
0xd1: {  	[sflag:s0] =	ssyncadd.s32 @!p0 s1  }
0xd2: {  	[bflag:$0x3] =	sbarrier.arrive $0xFFFF  }
0xd3: {  	_ =	shalt  }

</sc_bundles>
